<compile_context>
chip_gen: v7x
topology: tpu7x:2x2x1
jax: 0.10.2.dev20260603
libtpu: 0.0.44.dev20260713+nightly
codegen_flags: <defaults>
</compile_context>

<pallas_src>
import functools

import jax
import jax.numpy as jnp
from jax import lax
from jax.experimental import pallas as pl
from jax.experimental.pallas import tpu as pltpu
from jax.experimental.pallas import tpu_sc as plsc

_EBLK = 512
_BLK = 256


def _leaky(v):
    return jnp.where(v >= 0, v, 0.01 * v)


def _encoder_call(x, w1, b1, w2, b2):
    n = x.shape[0]
    l = x.shape[1] - 1
    inter = w1.shape[0]
    enc = w2.shape[0]
    nb = n // _EBLK

    def body(x_ref, w1_ref, b1_ref, w2_ref, b2_ref, z_ref, w1b, w2b):
        @pl.when(pl.program_id(0) == 0)
        def _():
            w1b[...] = w1_ref[...].astype(jnp.bfloat16)
            w2b[...] = w2_ref[...].astype(jnp.bfloat16)

        xb = x_ref[...].astype(jnp.bfloat16)
        h = lax.dot_general(xb, w1b[...], (((1,), (1,)), ((), ())),
                            preferred_element_type=jnp.float32)
        h = _leaky(h + b1_ref[...]).astype(jnp.bfloat16)
        z = lax.dot_general(h, w2b[...], (((1,), (1,)), ((), ())),
                            preferred_element_type=jnp.float32)
        z_ref[...] = _leaky(z + b2_ref[...])

    return pl.pallas_call(
        body,
        grid=(nb,),
        in_specs=[
            pl.BlockSpec((_EBLK, l), lambda i: (i, 0)),
            pl.BlockSpec((inter, l), lambda i: (0, 0)),
            pl.BlockSpec((1, inter), lambda i: (0, 0)),
            pl.BlockSpec((enc, inter), lambda i: (0, 0)),
            pl.BlockSpec((1, enc), lambda i: (0, 0)),
        ],
        out_specs=pl.BlockSpec((_EBLK, enc), lambda i: (i, 0)),
        out_shape=jax.ShapeDtypeStruct((n, enc), jnp.float32),
        scratch_shapes=[
            pltpu.VMEM((inter, l), jnp.bfloat16),
            pltpu.VMEM((enc, inter), jnp.bfloat16),
        ],
    )(x, w1, b1, w2, b2)


def _scatter_rows(z, inv):
    n, enc = z.shape
    info = plsc.get_sparse_core_info()
    nc = info.num_cores
    nw = nc * info.num_subcores
    rows_per_w = n // nw
    ch = min(rows_per_w, 128)
    nchunk = rows_per_w // ch
    mesh = plsc.VectorSubcoreMesh(core_axis_name="c", subcore_axis_name="s")

    @functools.partial(
        pl.kernel, mesh=mesh,
        out_type=jax.ShapeDtypeStruct((n, enc), jnp.float32),
        scratch_types=[
            pltpu.VMEM((ch,), jnp.int32),
            pltpu.VMEM((ch, enc), jnp.float32),
            pltpu.SemaphoreType.DMA,
        ],
    )
    def gk(z_hbm, inv_hbm, out_hbm, idx_v, rows_v, sem):
        wid = lax.axis_index("s") * nc + lax.axis_index("c")
        base = wid * rows_per_w
        for c in range(nchunk):
            off = base + c * ch
            pltpu.sync_copy(inv_hbm.at[pl.ds(off, ch)], idx_v)
            pltpu.sync_copy(z_hbm.at[pl.ds(off, ch)], rows_v)
            pltpu.async_copy(rows_v, out_hbm.at[idx_v], sem).wait()

    return gk(z, inv)


def _decoder_call(zs, w1, b1, w2, b2, sched, nsteps):
    n, enc = zs.shape
    inter = w1.shape[1]
    l = w2.shape[1]

    def body(sched_ref, zs_ref, w1_ref, b1_ref, w2_ref, b2_ref, out_ref):
        j = pl.program_id(0)
        lo = sched_ref[2, j]
        hi = sched_ref[3, j]
        h = lax.dot_general(zs_ref[...], w1_ref[0], (((1,), (1,)), ((), ())),
                            preferred_element_type=jnp.float32)
        h = _leaky(h + b1_ref[0])
        o = lax.dot_general(h, w2_ref[0], (((1,), (1,)), ((), ())),
                            preferred_element_type=jnp.float32)
        o = o + b2_ref[0]
        rows = lax.broadcasted_iota(jnp.int32, (_BLK, 1), 0)
        mask = (rows >= lo) & (rows < hi)
        out_ref[...] = jnp.where(mask, o, out_ref[...])

    grid_spec = pltpu.PrefetchScalarGridSpec(
        num_scalar_prefetch=1,
        grid=(nsteps,),
        in_specs=[
            pl.BlockSpec((_BLK, enc), lambda j, s: (s[1, j], 0)),
            pl.BlockSpec((1, inter, enc), lambda j, s: (s[0, j], 0, 0)),
            pl.BlockSpec((1, 1, inter), lambda j, s: (s[0, j], 0, 0)),
            pl.BlockSpec((1, l, inter), lambda j, s: (s[0, j], 0, 0)),
            pl.BlockSpec((1, 1, l), lambda j, s: (s[0, j], 0, 0)),
        ],
        out_specs=pl.BlockSpec((_BLK, l), lambda j, s: (s[1, j], 0)),
    )
    return pl.pallas_call(
        body,
        grid_spec=grid_spec,
        out_shape=jax.ShapeDtypeStruct((n, l), jnp.float32),
    )(sched, zs, w1, b1, w2, b2)


def _dispatch_plan(ids, e, n, nsteps):
    nb = n // _BLK
    oh = (ids[None, :] == jnp.arange(e, dtype=jnp.int32)[:, None])
    cum = jnp.cumsum(oh.astype(jnp.int32), axis=1)
    counts = cum[:, -1]
    seg_end = jnp.cumsum(counts)
    seg_start = seg_end - counts
    inv = jnp.sum(jnp.where(oh, cum + seg_start[:, None], 0), axis=0) - 1
    inv = inv.astype(jnp.int32)

    first_blk = seg_start // _BLK
    last_blk = jnp.where(counts > 0, (seg_end - 1) // _BLK, first_blk)
    steps_e = jnp.where(counts > 0, last_blk - first_blk + 1, 0)
    cum_steps = jnp.cumsum(steps_e)
    off_e = cum_steps - steps_e
    total = cum_steps[-1]

    jj = jnp.arange(nsteps, dtype=jnp.int32)
    e_j = jnp.sum(jj[:, None] >= cum_steps[None, :], axis=1).astype(jnp.int32)
    e_j = jnp.minimum(e_j, e - 1)
    blk_j = first_blk[e_j] + (jj - off_e[e_j])
    lo = jnp.maximum(seg_start[e_j] - blk_j * _BLK, 0)
    hi = jnp.minimum(seg_end[e_j] - blk_j * _BLK, _BLK)

    dummy = jj >= total
    e_last = jnp.max(jnp.where(counts > 0, jnp.arange(e, dtype=jnp.int32), -1))
    e_j = jnp.where(dummy, e_last, e_j)
    blk_j = jnp.where(dummy, nb - 1, blk_j)
    lo = jnp.where(dummy, 0, lo)
    hi = jnp.where(dummy, 0, hi)
    sched = jnp.stack([e_j, blk_j, lo, hi]).astype(jnp.int32)
    return inv, sched


def kernel(x, enc_w1, enc_b1, enc_w2, enc_b2, dec_w1, dec_b1, dec_w2, dec_b2):
    n, lp1 = x.shape
    l = lp1 - 1
    e = dec_w1.shape[0]
    nsteps = n // _BLK + e

    ids = x[:, l].astype(jnp.int32)
    inv, sched = _dispatch_plan(ids, e, n, nsteps)

    z = _encoder_call(x, enc_w1, enc_b1.reshape(1, -1),
                      enc_w2, enc_b2.reshape(1, -1))
    zs = _scatter_rows(z, inv)
    return _decoder_call(zs, dec_w1, dec_b1.reshape(e, 1, -1),
                         dec_w2, dec_b2.reshape(e, 1, -1), sched, nsteps)

# --- scband reference (transcript-rebuilt; emitter-appended) ---
"""Pipeline reference for scband-two-two-two-multitask-autoencoder-38929583571517 (READ-ONLY COPY).

The authoritative reference and input builder live on the scoring server;
editing this copy changes nothing except your own understanding.
"""

import jax, jax.numpy as jnp
import numpy as np

E = 8
L = 1024
INTER = 2048
ENC = 512
N = 8192


def setup_inputs(seed: int = 0) -> dict:
    key = jax.random.key(seed)
    ks = jax.random.split(key, 10)
    # x: last column holds the integer combination ID in [0, E)
    x = jax.random.randint(ks[0], (N, L + 1), 0, E).astype(jnp.float32)
    s = 0.02
    enc_w1 = jax.random.normal(ks[1], (INTER, L), dtype=jnp.float32) * s
    enc_b1 = jnp.zeros((INTER,), dtype=jnp.float32)
    enc_w2 = jax.random.normal(ks[2], (ENC, INTER), dtype=jnp.float32) * s
    enc_b2 = jnp.zeros((ENC,), dtype=jnp.float32)
    dec_w1 = jax.random.normal(ks[3], (E, INTER, ENC), dtype=jnp.float32) * s
    dec_b1 = jnp.zeros((E, INTER), dtype=jnp.float32)
    dec_w2 = jax.random.normal(ks[4], (E, L, INTER), dtype=jnp.float32) * s
    dec_b2 = jnp.zeros((E, L), dtype=jnp.float32)
    return {"x": x, "enc_w1": enc_w1, "enc_b1": enc_b1, "enc_w2": enc_w2,
            "enc_b2": enc_b2, "dec_w1": dec_w1, "dec_b1": dec_b1,
            "dec_w2": dec_w2, "dec_b2": dec_b2}


def reference(x, enc_w1, enc_b1, enc_w2, enc_b2, dec_w1, dec_b1, dec_w2, dec_b2):
    seq_len = x.shape[1] - 1
    n_experts = dec_w1.shape[0]
    ids = x[:, seq_len].astype(jnp.int32)
    # torch.unique returns ascending ids in practice; iterate experts in ascending order
    perm = jnp.argsort(ids, stable=True)
    xs = jnp.take(x[:, :seq_len], perm, axis=0)
    ids_s = jnp.take(ids, perm)
    h = jax.nn.leaky_relu(xs @ enc_w1.T + enc_b1, negative_slope=0.01)
    z = jax.nn.leaky_relu(h @ enc_w2.T + enc_b2, negative_slope=0.01)
    out = jnp.zeros((x.shape[0], seq_len), dtype=x.dtype)
    for i in range(n_experts):
        h2 = jax.nn.leaky_relu(z @ dec_w1[i].T + dec_b1[i], negative_slope=0.01)
        o = h2 @ dec_w2[i].T + dec_b2[i]
        out = jnp.where((ids_s == i)[:, None], o, out)
    return out

if __name__ == "__main__":
    import jax
    _d = setup_inputs()
    print(jax.jit(kernel)(*tuple(_d.values())))

</pallas_src>

<mosaic_0001>
#map = affine_map<(d0, d1) -> (0, 0)>
#map1 = affine_map<(d0, d1) -> (0)>
module attributes {stable_mosaic.version = 14 : i64} {
  func.func @gk(%arg0: i32, %arg1: i32, %arg2: memref<8192x512xf32, #tpu.memory_space<hbm>>, %arg3: memref<8192xi32, #tpu.memory_space<hbm>>, %arg4: memref<8192x512xf32, #tpu.memory_space<hbm>>, %arg5: memref<128xi32, #tpu.memory_space<vmem>>, %arg6: memref<128x512xf32, #tpu.memory_space<vmem>>, %arg7: memref<!tpu.dma_semaphore, #tpu.memory_space<semaphore_mem>>) attributes {dimension_semantics = [#tpu.dimension_semantics<core_parallel>, #tpu.dimension_semantics<subcore_parallel>], iteration_bounds = array<i64: 2, 16>, scalar_prefetch = 0 : i64, scratch_operands = 3 : i64, tpu.core_type = #tpu.core_type<sc_vector_subcore>, window_params = [{transform_indices = #map}, {transform_indices = #map1}, {transform_indices = #map}]} {
    %mul3A = arith.constant 2 : i32
    %mul3A_0 = arith.muli %arg1, %mul3A : i32
    %add3A = arith.addi %mul3A_0, %arg0 : i32
    %mul3A_1 = arith.constant 256 : i32
    %mul3A_2 = arith.muli %add3A, %mul3A_1 : i32
    %add3A_3 = arith.constant 0 : i32
    %add3A_4 = arith.addi %mul3A_2, %add3A_3 : i32
    "tpu.region"() ({
      %run_scoped3A = tpu.sem_alloc : memref<!tpu.dma_semaphore, #tpu.memory_space<semaphore_mem>>
      %dma_start3A_17 = tpu.memref_slice %arg3[%add3A_4] : memref<8192xi32, #tpu.memory_space<hbm>> -> memref<128xi32, #tpu.memory_space<hbm>>
      %dma_start3A_18 = tpu.memref_slice %arg3[%add3A_4] : memref<8192xi32, #tpu.memory_space<hbm>> -> memref<128xi32, #tpu.memory_space<hbm>>
      tpu.enqueue_dma source(%dma_start3A_18 : memref<128xi32, #tpu.memory_space<hbm>>) target(%arg5 : memref<128xi32, #tpu.memory_space<vmem>>) target_semaphore(%run_scoped3A : memref<!tpu.dma_semaphore, #tpu.memory_space<semaphore_mem>>)
      %dma_wait3A_19 = tpu.memref_slice %arg3[%add3A_4] : memref<8192xi32, #tpu.memory_space<hbm>> -> memref<128xi32, #tpu.memory_space<hbm>>
      %dma_wait3A_20 = tpu.memref_slice %arg3[%add3A_4] : memref<8192xi32, #tpu.memory_space<hbm>> -> memref<128xi32, #tpu.memory_space<hbm>>
      tpu.wait_dma2 semaphore(%run_scoped3A : memref<!tpu.dma_semaphore, #tpu.memory_space<semaphore_mem>>) src(%dma_wait3A_20 : memref<128xi32, #tpu.memory_space<hbm>>) dst(%arg5 : memref<128xi32, #tpu.memory_space<vmem>>)
      tpu.yield
    }) : () -> ()
    "tpu.region"() ({
      %run_scoped3A = tpu.sem_alloc : memref<!tpu.dma_semaphore, #tpu.memory_space<semaphore_mem>>
      %dma_start3A_17 = arith.constant 0 : i32
      %dma_start3A_18 = tpu.memref_slice %arg2[%add3A_4, %dma_start3A_17] : memref<8192x512xf32, #tpu.memory_space<hbm>> -> memref<128x512xf32, #tpu.memory_space<hbm>>
      %dma_start3A_19 = arith.constant 0 : i32
      %dma_start3A_20 = tpu.memref_slice %arg2[%add3A_4, %dma_start3A_19] : memref<8192x512xf32, #tpu.memory_space<hbm>> -> memref<128x512xf32, #tpu.memory_space<hbm>>
      tpu.enqueue_dma source(%dma_start3A_20 : memref<128x512xf32, #tpu.memory_space<hbm>>) target(%arg6 : memref<128x512xf32, #tpu.memory_space<vmem>>) target_semaphore(%run_scoped3A : memref<!tpu.dma_semaphore, #tpu.memory_space<semaphore_mem>>)
      %dma_wait3A_21 = arith.constant 0 : i32
      %dma_wait3A_22 = tpu.memref_slice %arg2[%add3A_4, %dma_wait3A_21] : memref<8192x512xf32, #tpu.memory_space<hbm>> -> memref<128x512xf32, #tpu.memory_space<hbm>>
      %dma_wait3A_23 = arith.constant 0 : i32
      %dma_wait3A_24 = tpu.memref_slice %arg2[%add3A_4, %dma_wait3A_23] : memref<8192x512xf32, #tpu.memory_space<hbm>> -> memref<128x512xf32, #tpu.memory_space<hbm>>
      tpu.wait_dma2 semaphore(%run_scoped3A : memref<!tpu.dma_semaphore, #tpu.memory_space<semaphore_mem>>) src(%dma_wait3A_24 : memref<128x512xf32, #tpu.memory_space<hbm>>) dst(%arg6 : memref<128x512xf32, #tpu.memory_space<vmem>>)
      tpu.yield
    }) : () -> ()
    %dma_start3A = arith.constant 0 : i32
    %dma_start3A_5 = arith.constant 0 : i32
    %dma_start3A_6 = tpu.memref_slice %arg4[%dma_start3A, %dma_start3A_5] : memref<8192x512xf32, #tpu.memory_space<hbm>> -> memref<8192x512xf32, #tpu.memory_space<hbm>>
    tpu.enqueue_indirect_dma source(%arg6 : memref<128x512xf32, #tpu.memory_space<vmem>>) target(%dma_start3A_6 : memref<8192x512xf32, #tpu.memory_space<hbm>>) offsets(%arg5 : memref<128xi32, #tpu.memory_space<vmem>>) semaphore(%arg7 : memref<!tpu.dma_semaphore, #tpu.memory_space<semaphore_mem>>)
    %dma_wait3A = arith.constant 0 : i32
    %dma_wait3A_7 = arith.constant 0 : i32
    %dma_wait3A_8 = tpu.memref_slice %arg4[%dma_wait3A, %dma_wait3A_7] : memref<8192x512xf32, #tpu.memory_space<hbm>> -> memref<8192x512xf32, #tpu.memory_space<hbm>>
    tpu.wait_indirect_dma semaphore(%arg7 : memref<!tpu.dma_semaphore, #tpu.memory_space<semaphore_mem>>) src(%arg6 : memref<128x512xf32, #tpu.memory_space<vmem>>) dst(%dma_wait3A_8 : memref<8192x512xf32, #tpu.memory_space<hbm>>)
    %add3A_9 = arith.constant 128 : i32
    %add3A_10 = arith.addi %mul3A_2, %add3A_9 : i32
    "tpu.region"() ({
      %run_scoped3A = tpu.sem_alloc : memref<!tpu.dma_semaphore, #tpu.memory_space<semaphore_mem>>
      %dma_start3A_17 = tpu.memref_slice %arg3[%add3A_10] : memref<8192xi32, #tpu.memory_space<hbm>> -> memref<128xi32, #tpu.memory_space<hbm>>
      %dma_start3A_18 = tpu.memref_slice %arg3[%add3A_10] : memref<8192xi32, #tpu.memory_space<hbm>> -> memref<128xi32, #tpu.memory_space<hbm>>
      tpu.enqueue_dma source(%dma_start3A_18 : memref<128xi32, #tpu.memory_space<hbm>>) target(%arg5 : memref<128xi32, #tpu.memory_space<vmem>>) target_semaphore(%run_scoped3A : memref<!tpu.dma_semaphore, #tpu.memory_space<semaphore_mem>>)
      %dma_wait3A_19 = tpu.memref_slice %arg3[%add3A_10] : memref<8192xi32, #tpu.memory_space<hbm>> -> memref<128xi32, #tpu.memory_space<hbm>>
      %dma_wait3A_20 = tpu.memref_slice %arg3[%add3A_10] : memref<8192xi32, #tpu.memory_space<hbm>> -> memref<128xi32, #tpu.memory_space<hbm>>
      tpu.wait_dma2 semaphore(%run_scoped3A : memref<!tpu.dma_semaphore, #tpu.memory_space<semaphore_mem>>) src(%dma_wait3A_20 : memref<128xi32, #tpu.memory_space<hbm>>) dst(%arg5 : memref<128xi32, #tpu.memory_space<vmem>>)
      tpu.yield
    }) : () -> ()
    "tpu.region"() ({
      %run_scoped3A = tpu.sem_alloc : memref<!tpu.dma_semaphore, #tpu.memory_space<semaphore_mem>>
      %dma_start3A_17 = arith.constant 0 : i32
      %dma_start3A_18 = tpu.memref_slice %arg2[%add3A_10, %dma_start3A_17] : memref<8192x512xf32, #tpu.memory_space<hbm>> -> memref<128x512xf32, #tpu.memory_space<hbm>>
      %dma_start3A_19 = arith.constant 0 : i32
      %dma_start3A_20 = tpu.memref_slice %arg2[%add3A_10, %dma_start3A_19] : memref<8192x512xf32, #tpu.memory_space<hbm>> -> memref<128x512xf32, #tpu.memory_space<hbm>>
      tpu.enqueue_dma source(%dma_start3A_20 : memref<128x512xf32, #tpu.memory_space<hbm>>) target(%arg6 : memref<128x512xf32, #tpu.memory_space<vmem>>) target_semaphore(%run_scoped3A : memref<!tpu.dma_semaphore, #tpu.memory_space<semaphore_mem>>)
      %dma_wait3A_21 = arith.constant 0 : i32
      %dma_wait3A_22 = tpu.memref_slice %arg2[%add3A_10, %dma_wait3A_21] : memref<8192x512xf32, #tpu.memory_space<hbm>> -> memref<128x512xf32, #tpu.memory_space<hbm>>
      %dma_wait3A_23 = arith.constant 0 : i32
      %dma_wait3A_24 = tpu.memref_slice %arg2[%add3A_10, %dma_wait3A_23] : memref<8192x512xf32, #tpu.memory_space<hbm>> -> memref<128x512xf32, #tpu.memory_space<hbm>>
      tpu.wait_dma2 semaphore(%run_scoped3A : memref<!tpu.dma_semaphore, #tpu.memory_space<semaphore_mem>>) src(%dma_wait3A_24 : memref<128x512xf32, #tpu.memory_space<hbm>>) dst(%arg6 : memref<128x512xf32, #tpu.memory_space<vmem>>)
      tpu.yield
    }) : () -> ()
    %dma_start3A_11 = arith.constant 0 : i32
    %dma_start3A_12 = arith.constant 0 : i32
    %dma_start3A_13 = tpu.memref_slice %arg4[%dma_start3A_11, %dma_start3A_12] : memref<8192x512xf32, #tpu.memory_space<hbm>> -> memref<8192x512xf32, #tpu.memory_space<hbm>>
    tpu.enqueue_indirect_dma source(%arg6 : memref<128x512xf32, #tpu.memory_space<vmem>>) target(%dma_start3A_13 : memref<8192x512xf32, #tpu.memory_space<hbm>>) offsets(%arg5 : memref<128xi32, #tpu.memory_space<vmem>>) semaphore(%arg7 : memref<!tpu.dma_semaphore, #tpu.memory_space<semaphore_mem>>)
    %dma_wait3A_14 = arith.constant 0 : i32
    %dma_wait3A_15 = arith.constant 0 : i32
    %dma_wait3A_16 = tpu.memref_slice %arg4[%dma_wait3A_14, %dma_wait3A_15] : memref<8192x512xf32, #tpu.memory_space<hbm>> -> memref<8192x512xf32, #tpu.memory_space<hbm>>
    tpu.wait_indirect_dma semaphore(%arg7 : memref<!tpu.dma_semaphore, #tpu.memory_space<semaphore_mem>>) src(%arg6 : memref<128x512xf32, #tpu.memory_space<vmem>>) dst(%dma_wait3A_16 : memref<8192x512xf32, #tpu.memory_space<hbm>>)
    return
  }
}

module attributes {stable_mosaic.version = 14 : i64} {
  func.func @body(%arg0: i32, %arg1: memref<512x1024xf32, #tpu.memory_space<vmem>>, %arg2: memref<2048x1024xf32, #tpu.memory_space<vmem>>, %arg3: memref<1x2048xf32, #tpu.memory_space<vmem>>, %arg4: memref<512x2048xf32, #tpu.memory_space<vmem>>, %arg5: memref<1x512xf32, #tpu.memory_space<vmem>>, %arg6: memref<512x512xf32, #tpu.memory_space<vmem>>, %arg7: memref<2048x1024xbf16, #tpu.memory_space<vmem>>, %arg8: memref<512x2048xbf16, #tpu.memory_space<vmem>>) attributes {dimension_semantics = [#tpu.dimension_semantics<arbitrary>], iteration_bounds = array<i64: 16>, scalar_prefetch = 0 : i64, scratch_operands = 2 : i64, tpu.core_type = #tpu.core_type<tc>, window_params = [{transform_indices = @transform_0, window_bounds = array<i64: 512, 1024>}, {pipeline_mode = #tpu.pipeline_mode<synchronous>, transform_indices = @transform_1, window_bounds = array<i64: 2048, 1024>}, {pipeline_mode = #tpu.pipeline_mode<synchronous>, transform_indices = @transform_2, window_bounds = array<i64: 1, 2048>}, {pipeline_mode = #tpu.pipeline_mode<synchronous>, transform_indices = @transform_3, window_bounds = array<i64: 512, 2048>}, {pipeline_mode = #tpu.pipeline_mode<synchronous>, transform_indices = @transform_4, window_bounds = array<i64: 1, 512>}, {transform_indices = @transform_5, window_bounds = array<i64: 512, 512>}]} {
    %eq3A = arith.constant 0 : i32
    %eq3A_0 = arith.cmpi eq, %arg0, %eq3A : i32
    %convert_element_type3A = arith.extui %eq3A_0 : i1 to i32
    %cond3A = arith.constant 0 : i32
    %cond3A_1 = arith.cmpi ne, %convert_element_type3A, %cond3A : i32
    scf.if %cond3A_1 {
      %get3A_37 = arith.constant 0 : index
      %get3A_38 = arith.constant 0 : index
      %get3A_39 = vector.load %arg2[%get3A_37, %get3A_38] : memref<2048x1024xf32, #tpu.memory_space<vmem>>, vector<2048x1024xf32>
      %convert_element_type3A_40 = arith.truncf %get3A_39 : vector<2048x1024xf32> to vector<2048x1024xbf16>
      %swap3A_41 = arith.constant 0 : index
      %swap3A_42 = arith.constant 0 : index
      %swap3A_43 = vector.load %arg7[%swap3A_41, %swap3A_42] : memref<2048x1024xbf16, #tpu.memory_space<vmem>>, vector<2048x1024xbf16>
      tpu.vector_store %arg7[%swap3A_41, %swap3A_42], %convert_element_type3A_40 {strides = array<i32>} : memref<2048x1024xbf16, #tpu.memory_space<vmem>>, vector<2048x1024xbf16>,
      %get3A_44 = arith.constant 0 : index
      %get3A_45 = arith.constant 0 : index
      %get3A_46 = vector.load %arg4[%get3A_44, %get3A_45] : memref<512x2048xf32, #tpu.memory_space<vmem>>, vector<512x2048xf32>
      %convert_element_type3A_47 = arith.truncf %get3A_46 : vector<512x2048xf32> to vector<512x2048xbf16>
      %swap3A_48 = arith.constant 0 : index
      %swap3A_49 = arith.constant 0 : index
      %swap3A_50 = vector.load %arg8[%swap3A_48, %swap3A_49] : memref<512x2048xbf16, #tpu.memory_space<vmem>>, vector<512x2048xbf16>
      tpu.vector_store %arg8[%swap3A_48, %swap3A_49], %convert_element_type3A_47 {strides = array<i32>} : memref<512x2048xbf16, #tpu.memory_space<vmem>>, vector<512x2048xbf16>,
    } else {
    }
    %get3A = arith.constant 0 : index
    %get3A_2 = arith.constant 0 : index
    %get3A_3 = vector.load %arg1[%get3A, %get3A_2] : memref<512x1024xf32, #tpu.memory_space<vmem>>, vector<512x1024xf32>
    %convert_element_type3A_4 = arith.truncf %get3A_3 : vector<512x1024xf32> to vector<512x1024xbf16>
    %get3A_5 = arith.constant 0 : index
    %get3A_6 = arith.constant 0 : index
    %get3A_7 = vector.load %arg7[%get3A_5, %get3A_6] : memref<2048x1024xbf16, #tpu.memory_space<vmem>>, vector<2048x1024xbf16>
    %dot_general3A = arith.constant dense<0.000000e+00> : vector<512x2048xf32>
    %dot_general3A_8 = tpu.matmul %convert_element_type3A_4, %get3A_7, %dot_general3A {dimension_numbers = #tpu.dot_dimension_numbers<[1], [1], [0], [0], [0, 0, 1, 0], [], []>, transpose_lhs_hint = false} : vector<512x1024xbf16>, vector<2048x1024xbf16>, vector<512x2048xf32> -> vector<512x2048xf32>
    %get3A_9 = arith.constant 0 : index
    %get3A_10 = arith.constant 0 : index
    %get3A_11 = vector.load %arg3[%get3A_9, %get3A_10] : memref<1x2048xf32, #tpu.memory_space<vmem>>, vector<1x2048xf32>
    %add3A = vector.broadcast %get3A_11 : vector<1x2048xf32> to vector<512x2048xf32>
    %add3A_12 = arith.addf %dot_general3A_8, %add3A : vector<512x2048xf32>
    %ge3A = arith.constant 0.000000e+00 : f32
    %ge3A_13 = vector.broadcast %ge3A : f32 to vector<512x2048xf32>
    %ge3A_14 = arith.cmpf oge, %add3A_12, %ge3A_13 : vector<512x2048xf32>
    %mul3A = arith.constant 0.00999999977 : f32
    %mul3A_15 = vector.broadcast %mul3A : f32 to vector<512x2048xf32>
    %mul3A_16 = arith.mulf %mul3A_15, %add3A_12 : vector<512x2048xf32>
    %select_n3A = arith.select %ge3A_14, %add3A_12, %mul3A_16 : vector<512x2048xi1>, vector<512x2048xf32>
    %convert_element_type3A_17 = arith.truncf %select_n3A : vector<512x2048xf32> to vector<512x2048xbf16>
    %get3A_18 = arith.constant 0 : index
    %get3A_19 = arith.constant 0 : index
    %get3A_20 = vector.load %arg8[%get3A_18, %get3A_19] : memref<512x2048xbf16, #tpu.memory_space<vmem>>, vector<512x2048xbf16>
    %dot_general3A_21 = arith.constant dense<0.000000e+00> : vector<512x512xf32>
    %dot_general3A_22 = tpu.matmul %convert_element_type3A_17, %get3A_20, %dot_general3A_21 {dimension_numbers = #tpu.dot_dimension_numbers<[1], [1], [0], [0], [0, 0, 1, 0], [], []>, transpose_lhs_hint = false} : vector<512x2048xbf16>, vector<512x2048xbf16>, vector<512x512xf32> -> vector<512x512xf32>
    %get3A_23 = arith.constant 0 : index
    %get3A_24 = arith.constant 0 : index
    %get3A_25 = vector.load %arg5[%get3A_23, %get3A_24] : memref<1x512xf32, #tpu.memory_space<vmem>>, vector<1x512xf32>
    %add3A_26 = vector.broadcast %get3A_25 : vector<1x512xf32> to vector<512x512xf32>
    %add3A_27 = arith.addf %dot_general3A_22, %add3A_26 : vector<512x512xf32>
    %ge3A_28 = arith.constant 0.000000e+00 : f32
    %ge3A_29 = vector.broadcast %ge3A_28 : f32 to vector<512x512xf32>
    %ge3A_30 = arith.cmpf oge, %add3A_27, %ge3A_29 : vector<512x512xf32>
    %mul3A_31 = arith.constant 0.00999999977 : f32
    %mul3A_32 = vector.broadcast %mul3A_31 : f32 to vector<512x512xf32>
    %mul3A_33 = arith.mulf %mul3A_32, %add3A_27 : vector<512x512xf32>
    %select_n3A_34 = arith.select %ge3A_30, %add3A_27, %mul3A_33 : vector<512x512xi1>, vector<512x512xf32>
    %swap3A = arith.constant 0 : index
    %swap3A_35 = arith.constant 0 : index
    %swap3A_36 = vector.load %arg6[%swap3A, %swap3A_35] : memref<512x512xf32, #tpu.memory_space<vmem>>, vector<512x512xf32>
    tpu.vector_store %arg6[%swap3A, %swap3A_35], %select_n3A_34 {strides = array<i32>} : memref<512x512xf32, #tpu.memory_space<vmem>>, vector<512x512xf32>,
    return
  }
  func.func @transform_0(%arg0: i32) -> (i32, i32) {
    %c0_i32 = arith.constant 0 : i32
    %c0_i32_0 = arith.constant 0 : i32
    return %arg0, %c0_i32 : i32, i32
  }
  func.func @transform_1(%arg0: i32) -> (i32, i32) {
    %c0_i32 = arith.constant 0 : i32
    %c0_i32_0 = arith.constant 0 : i32
    %c0_i32_1 = arith.constant 0 : i32
    return %c0_i32, %c0_i32_0 : i32, i32
  }
  func.func @transform_2(%arg0: i32) -> (i32, i32) {
    %c0_i32 = arith.constant 0 : i32
    %c0_i32_0 = arith.constant 0 : i32
    %c0_i32_1 = arith.constant 0 : i32
    return %c0_i32, %c0_i32_0 : i32, i32
  }
  func.func @transform_3(%arg0: i32) -> (i32, i32) {
    %c0_i32 = arith.constant 0 : i32
    %c0_i32_0 = arith.constant 0 : i32
    %c0_i32_1 = arith.constant 0 : i32
    return %c0_i32, %c0_i32_0 : i32, i32
  }
  func.func @transform_4(%arg0: i32) -> (i32, i32) {
    %c0_i32 = arith.constant 0 : i32
    %c0_i32_0 = arith.constant 0 : i32
    %c0_i32_1 = arith.constant 0 : i32
    return %c0_i32, %c0_i32_0 : i32, i32
  }
  func.func @transform_5(%arg0: i32) -> (i32, i32) {
    %c0_i32 = arith.constant 0 : i32
    %c0_i32_0 = arith.constant 0 : i32
    return %arg0, %c0_i32 : i32, i32
  }
}

module attributes {stable_mosaic.version = 14 : i64} {
  func.func @body(%arg0: i32, %arg1: memref<4x40xi32, #tpu.memory_space<smem>>, %arg2: memref<256x512xf32, #tpu.memory_space<vmem>>, %arg3: memref<1x2048x512xf32, #tpu.memory_space<vmem>>, %arg4: memref<1x1x2048xf32, #tpu.memory_space<vmem>>, %arg5: memref<1x1024x2048xf32, #tpu.memory_space<vmem>>, %arg6: memref<1x1x1024xf32, #tpu.memory_space<vmem>>, %arg7: memref<256x1024xf32, #tpu.memory_space<vmem>>) attributes {dimension_semantics = [#tpu.dimension_semantics<arbitrary>], iteration_bounds = array<i64: 40>, scalar_prefetch = 1 : i64, scratch_operands = 0 : i64, tpu.core_type = #tpu.core_type<tc>, window_params = [{transform_indices = @transform_0, window_bounds = array<i64: 256, 512>}, {transform_indices = @transform_1, window_bounds = array<i64: 1, 2048, 512>}, {transform_indices = @transform_2, window_bounds = array<i64: 1, 1, 2048>}, {transform_indices = @transform_3, window_bounds = array<i64: 1, 1024, 2048>}, {transform_indices = @transform_4, window_bounds = array<i64: 1, 1, 1024>}, {transform_indices = @transform_5, window_bounds = array<i64: 256, 1024>}]} {
    %get3A = arith.constant 2 : index
    %get3A_0 = arith.index_cast %arg0 : i32 to index
    %get3A_1 = memref.load %arg1[%get3A, %get3A_0] : memref<4x40xi32, #tpu.memory_space<smem>>
    %get3A_2 = arith.constant 3 : index
    %get3A_3 = arith.index_cast %arg0 : i32 to index
    %get3A_4 = memref.load %arg1[%get3A_2, %get3A_3] : memref<4x40xi32, #tpu.memory_space<smem>>
    %get3A_5 = arith.constant 0 : index
    %get3A_6 = arith.constant 0 : index
    %get3A_7 = vector.load %arg2[%get3A_5, %get3A_6] : memref<256x512xf32, #tpu.memory_space<vmem>>, vector<256x512xf32>
    %get3A_8 = arith.constant 0 : index
    %get3A_9 = arith.constant 0 : index
    %get3A_10 = arith.constant 0 : index
    %get3A_11 = vector.load %arg3[%get3A_8, %get3A_9, %get3A_10] : memref<1x2048x512xf32, #tpu.memory_space<vmem>>, vector<1x2048x512xf32>
    %get3A_12 = vector.shape_cast %get3A_11 : vector<1x2048x512xf32> to vector<2048x512xf32>
    %dot_general3A = arith.constant dense<0.000000e+00> : vector<256x2048xf32>
    %dot_general3A_13 = tpu.matmul %get3A_7, %get3A_12, %dot_general3A {dimension_numbers = #tpu.dot_dimension_numbers<[1], [1], [0], [0], [0, 0, 1, 0], [], []>, transpose_lhs_hint = false} : vector<256x512xf32>, vector<2048x512xf32>, vector<256x2048xf32> -> vector<256x2048xf32>
    %get3A_14 = arith.constant 0 : index
    %get3A_15 = arith.constant 0 : index
    %get3A_16 = arith.constant 0 : index
    %get3A_17 = vector.load %arg4[%get3A_14, %get3A_15, %get3A_16] : memref<1x1x2048xf32, #tpu.memory_space<vmem>>, vector<1x1x2048xf32>
    %get3A_18 = vector.shape_cast %get3A_17 : vector<1x1x2048xf32> to vector<1x2048xf32>
    %add3A = vector.broadcast %get3A_18 : vector<1x2048xf32> to vector<256x2048xf32>
    %add3A_19 = arith.addf %dot_general3A_13, %add3A : vector<256x2048xf32>
    %ge3A = arith.constant 0.000000e+00 : f32
    %ge3A_20 = vector.broadcast %ge3A : f32 to vector<256x2048xf32>
    %ge3A_21 = arith.cmpf oge, %add3A_19, %ge3A_20 : vector<256x2048xf32>
    %mul3A = arith.constant 0.00999999977 : f32
    %mul3A_22 = vector.broadcast %mul3A : f32 to vector<256x2048xf32>
    %mul3A_23 = arith.mulf %mul3A_22, %add3A_19 : vector<256x2048xf32>
    %select_n3A = arith.select %ge3A_21, %add3A_19, %mul3A_23 : vector<256x2048xi1>, vector<256x2048xf32>
    %get3A_24 = arith.constant 0 : index
    %get3A_25 = arith.constant 0 : index
    %get3A_26 = arith.constant 0 : index
    %get3A_27 = vector.load %arg5[%get3A_24, %get3A_25, %get3A_26] : memref<1x1024x2048xf32, #tpu.memory_space<vmem>>, vector<1x1024x2048xf32>
    %get3A_28 = vector.shape_cast %get3A_27 : vector<1x1024x2048xf32> to vector<1024x2048xf32>
    %dot_general3A_29 = arith.constant dense<0.000000e+00> : vector<256x1024xf32>
    %dot_general3A_30 = tpu.matmul %select_n3A, %get3A_28, %dot_general3A_29 {dimension_numbers = #tpu.dot_dimension_numbers<[1], [1], [0], [0], [0, 0, 1, 0], [], []>, transpose_lhs_hint = false} : vector<256x2048xf32>, vector<1024x2048xf32>, vector<256x1024xf32> -> vector<256x1024xf32>
    %get3A_31 = arith.constant 0 : index
    %get3A_32 = arith.constant 0 : index
    %get3A_33 = arith.constant 0 : index
    %get3A_34 = vector.load %arg6[%get3A_31, %get3A_32, %get3A_33] : memref<1x1x1024xf32, #tpu.memory_space<vmem>>, vector<1x1x1024xf32>
    %get3A_35 = vector.shape_cast %get3A_34 : vector<1x1x1024xf32> to vector<1x1024xf32>
    %add3A_36 = vector.broadcast %get3A_35 : vector<1x1024xf32> to vector<256x1024xf32>
    %add3A_37 = arith.addf %dot_general3A_30, %add3A_36 : vector<256x1024xf32>
    %iota3A = tpu.iota {dimensions = array<i32: 0>} : vector<256x1xi32>
    %ge3A_38 = vector.broadcast %get3A_1 : i32 to vector<256x1xi32>
    %ge3A_39 = arith.cmpi sge, %iota3A, %ge3A_38 : vector<256x1xi32>
    %lt3A = vector.broadcast %get3A_4 : i32 to vector<256x1xi32>
    %lt3A_40 = arith.cmpi slt, %iota3A, %lt3A : vector<256x1xi32>
    %and3A = arith.andi %ge3A_39, %lt3A_40 : vector<256x1xi1>
    %get3A_41 = arith.constant 0 : index
    %get3A_42 = arith.constant 0 : index
    %get3A_43 = vector.load %arg7[%get3A_41, %get3A_42] : memref<256x1024xf32, #tpu.memory_space<vmem>>, vector<256x1024xf32>
    %broadcast_in_dim3A = vector.shape_cast %and3A : vector<256x1xi1> to vector<256x1xi1>
    %broadcast_in_dim3A_44 = vector.broadcast %broadcast_in_dim3A : vector<256x1xi1> to vector<256x1024xi1>
    %select_n3A_45 = arith.select %broadcast_in_dim3A_44, %add3A_37, %get3A_43 : vector<256x1024xi1>, vector<256x1024xf32>
    %swap3A = arith.constant 0 : index
    %swap3A_46 = arith.constant 0 : index
    %swap3A_47 = vector.load %arg7[%swap3A, %swap3A_46] : memref<256x1024xf32, #tpu.memory_space<vmem>>, vector<256x1024xf32>
    tpu.vector_store %arg7[%swap3A, %swap3A_46], %select_n3A_45 {strides = array<i32>} : memref<256x1024xf32, #tpu.memory_space<vmem>>, vector<256x1024xf32>,
    return
  }
  func.func @transform_0(%arg0: i32, %arg1: memref<4x40xi32, #tpu.memory_space<smem>>) -> (i32, i32) {
    %get3A = arith.constant 1 : index
    %get3A_0 = arith.index_cast %arg0 : i32 to index
    %get3A_1 = memref.load %arg1[%get3A, %get3A_0] : memref<4x40xi32, #tpu.memory_space<smem>>
    %c0_i32 = arith.constant 0 : i32
    %c0_i32_2 = arith.constant 0 : i32
    return %get3A_1, %c0_i32 : i32, i32
  }
  func.func @transform_1(%arg0: i32, %arg1: memref<4x40xi32, #tpu.memory_space<smem>>) -> (i32, i32, i32) {
    %get3A = arith.constant 0 : index
    %get3A_0 = arith.index_cast %arg0 : i32 to index
    %get3A_1 = memref.load %arg1[%get3A, %get3A_0] : memref<4x40xi32, #tpu.memory_space<smem>>
    %c0_i32 = arith.constant 0 : i32
    %c0_i32_2 = arith.constant 0 : i32
    %c0_i32_3 = arith.constant 0 : i32
    return %get3A_1, %c0_i32, %c0_i32_2 : i32, i32, i32
  }
  func.func @transform_2(%arg0: i32, %arg1: memref<4x40xi32, #tpu.memory_space<smem>>) -> (i32, i32, i32) {
    %get3A = arith.constant 0 : index
    %get3A_0 = arith.index_cast %arg0 : i32 to index
    %get3A_1 = memref.load %arg1[%get3A, %get3A_0] : memref<4x40xi32, #tpu.memory_space<smem>>
    %c0_i32 = arith.constant 0 : i32
    %c0_i32_2 = arith.constant 0 : i32
    %c0_i32_3 = arith.constant 0 : i32
    return %get3A_1, %c0_i32, %c0_i32_2 : i32, i32, i32
  }
  func.func @transform_3(%arg0: i32, %arg1: memref<4x40xi32, #tpu.memory_space<smem>>) -> (i32, i32, i32) {
    %get3A = arith.constant 0 : index
    %get3A_0 = arith.index_cast %arg0 : i32 to index
    %get3A_1 = memref.load %arg1[%get3A, %get3A_0] : memref<4x40xi32, #tpu.memory_space<smem>>
    %c0_i32 = arith.constant 0 : i32
    %c0_i32_2 = arith.constant 0 : i32
    %c0_i32_3 = arith.constant 0 : i32
    return %get3A_1, %c0_i32, %c0_i32_2 : i32, i32, i32
  }
  func.func @transform_4(%arg0: i32, %arg1: memref<4x40xi32, #tpu.memory_space<smem>>) -> (i32, i32, i32) {
    %get3A = arith.constant 0 : index
    %get3A_0 = arith.index_cast %arg0 : i32 to index
    %get3A_1 = memref.load %arg1[%get3A, %get3A_0] : memref<4x40xi32, #tpu.memory_space<smem>>
    %c0_i32 = arith.constant 0 : i32
    %c0_i32_2 = arith.constant 0 : i32
    %c0_i32_3 = arith.constant 0 : i32
    return %get3A_1, %c0_i32, %c0_i32_2 : i32, i32, i32
  }
  func.func @transform_5(%arg0: i32, %arg1: memref<4x40xi32, #tpu.memory_space<smem>>) -> (i32, i32) {
    %get3A = arith.constant 1 : index
    %get3A_0 = arith.index_cast %arg0 : i32 to index
    %get3A_1 = memref.load %arg1[%get3A, %get3A_0] : memref<4x40xi32, #tpu.memory_space<smem>>
    %c0_i32 = arith.constant 0 : i32
    %c0_i32_2 = arith.constant 0 : i32
    return %get3A_1, %c0_i32 : i32, i32
  }
}

</mosaic_0001>

<sc_bundles>
// kernel: kernel.5.cloned.1.call-start
scs
__scs_entry_jumppad:
0x0: {  	(pc) =	sbr.rel $0x88, $3  }
0x1: {  	(tag) =	ssettag $0x0;
	lr =	simm.s32 $0x1  }
0x2: {  	[smem:$0x3F98] =	sst lr;
	_ =	strace $0xD0000000  }
0x3: {  	_ = 	snop  }
0x4: {  	_ = 	snop  }
0x5: {  	_ = 	snop  }
0x6: {  	_ = 	snop  }
0x7: {  	_ = 	snop  }
__scs_overlays_trampoline_lowered:
0x8: {  	[smem:$0x3FA7] =	sst s0  }
0x9: {  	[smem:$0x3FA8] =	sst s1  }
0xa: {  	[smem:$0x3FA9] =	sst s2  }
0xb: {  	[smem:$0x3FAA] =	sst s3  }
0xc: {  	[smem:$0x3FAB] =	sst s4  }
0xd: {  	[smem:$0x3FAC] =	sst s5  }
0xe: {  	[smem:$0x3FAD] =	sst s6  }
0xf: {  	[smem:$0x3FAE] =	sst s7  }
0x10: {  	[smem:$0x3FAF] =	sst s8  }
0x11: {  	[smem:$0x3FB0] =	sst s9;
	s0 =	simm.s32 @!p0 $0x0  }
0x12: {  	s1 =	sld [smem:$0x3F96];
	s0 =	simm.s32 @p0 $0x1  }
0x13: {  	[smem:$0x3FB1] =	sst s0;
	s0 =	simm.s32 @!p1 $0x0  }
0x14: {  	s2 =	sld [smem:$0x3F95];
	s0 =	simm.s32 @p1 $0x1  }
0x15: {  	[smem:$0x3FB2] =	sst s0;
	s0 =	simm.s32 @!p2 $0x0  }
0x16: {  	s3 =	sld [smem:$0x3FDB];
	s0 =	simm.s32 @p2 $0x1  }
0x17: {  	s4 =	simm.s32 $0x1BF5;
	[smem:$0x3FB4] =	sst s0  }
0x18: {  	s0 =	sld [smem:$0x3F97];
	_ =	swait.ge [sflag:s4], $0x0  }
0x19: {  	s7 =	sld [smem:$0x3F98]  }
0x1a: {  	s8 =	sadd.s32 $0xFFFFE003, lr  }
0x1b: {  	s9 =	sadd.s32 $0xFFFFFEF7, lr;
	s5 =	simm.s32 $0xFFFFFFFF;
	p2 =	slt.u32 s8, $0xFFFFF086  }
0x1c: {  	p1 =	slt.u32 s9, $0xF7A;
	s5 =	simm.s32 @!p2 $0x0  }
0x1d: {  	s5 =	simm.s32 @p1 $0x1;
	p0 =	seq.s32 s7, s2  }
0x1e: {  	s7 =	smul.u32 @!p0 $0xF7A, s2;
	p2 =	seq.s32 @!p0 s5, $0x0  }
0x1f: {  	s9 =	smul.u32 $0xF7A, s1;
	s8 =	simm.s32 @!p0 $0x1BF5;
	p2 =	por !p2, p0  }
0x20: {  	[sflag:s8] =	ssyncset.s32 @!p0 $0xFFFFF086;
	s6 =	sadd.s32 @!p0 s3, s7;
	s7 =	simm.s32 @!p0 $0x108  }
0x21: {  	s3 =	sadd.s32 s3, s9;
	s6 =	sadd.s32 @!p0 $0x88, s6;
	s7 =	simm.s32 @p2 $0x1082  }
0x22: {  	[simem:s7], [sflag:s8] =	dma.local @!p0 [hbm:s6], $0xF7A  }
0x23: {  	s9 =	sor.u32 $0xD0000000, s2;
	s6 =	simm.s32 $0x108;
	_ =	swait.ge @!p0 [sflag:s8], $0x0  }
0x24: {  	s3 =	sadd.s32 $0x88, s3;
	s6 =	simm.s32 @!p1 $0x1082;
	[sflag:s4] =	ssyncset.s32 $0xFFFFF086  }
0x25: {  	[simem:s6], [sflag:s4] =	dma.local [hbm:s3], $0xF7A  }
0x26: {  	[smem:$0x3F98] =	sst s1;
	(tag) =	ssettag s2;
	_ =	strace s9  }
0x27: {  	s1 =	sld [smem:$0x3FA8]  }
0x28: {  	s2 =	sld [smem:$0x3FA9]  }
0x29: {  	s4 =	sld [smem:$0x3FAB]  }
0x2a: {  	p0 =	seq.s32 s5, $0x0;
	s5 =	sld [smem:$0x3FAC]  }
0x2b: {  	s6 =	sld [smem:$0x3FAD]  }
0x2c: {  	s7 =	sld [smem:$0x3FAE]  }
0x2d: {  	s3 =	simm.s32 $0x108;
	s8 =	sld [smem:$0x3FAF]  }
0x2e: {  	s3 =	simm.s32 @!p0 $0x1082;
	s9 =	sld [smem:$0x3FB0]  }
0x2f: {  	lr =	sadd.s32 s0, s3;
	s0 =	sld [smem:$0x3FA7]  }
0x30: {  	s3 =	sld [smem:$0x3FAA]  }
0x31: {  	[smem:$0x3FB3] =	sst s10  }
0x32: {  	s10 =	sld [smem:$0x3FB1];
	_ =	sdelay $0x3  }
0x33: {  	p0 =	seq.s32 s10, $0x1;
	s10 =	sld [smem:$0x3FB3];
	_ =	sdelay $0x3  }
0x34: {  	[smem:$0x3FB3] =	sst s10  }
0x35: {  	s10 =	sld [smem:$0x3FB2];
	_ =	sdelay $0x3  }
0x36: {  	p1 =	seq.s32 s10, $0x1;
	s10 =	sld [smem:$0x3FB3];
	_ =	sdelay $0x3  }
0x37: {  	[smem:$0x3FB3] =	sst s10  }
0x38: {  	s10 =	sld [smem:$0x3FB4]  }
0x39: {  	_ = 	snop;
	(pc) =	sbr.ind lr, $3  }
0x3a: {  	_ = 	snop  }
0x3b: {  	_ = 	snop  }
0x3c: {  	p2 =	seq.s32 s10, $0x1;
	s10 =	sld [smem:$0x3FB3]  }
0x3d: {  	_ =	shalt  }
0x3e: {  	_ =	shalt  }
0x3f: {  	_ =	shalt  }
0x40: {  	_ =	shalt  }
0x41: {  	_ =	shalt  }
0x42: {  	_ =	shalt  }
0x43: {  	_ =	shalt  }
0x44: {  	_ =	shalt  }
0x45: {  	_ =	shalt  }
0x46: {  	_ =	shalt  }
0x47: {  	_ =	shalt  }
0x48: {  	_ =	shalt  }
0x49: {  	_ =	shalt  }
0x4a: {  	_ =	shalt  }
0x4b: {  	_ =	shalt  }
0x4c: {  	_ =	shalt  }
0x4d: {  	_ =	shalt  }
0x4e: {  	_ =	shalt  }
0x4f: {  	_ =	shalt  }
0x50: {  	_ =	shalt  }
0x51: {  	_ =	shalt  }
0x52: {  	_ =	shalt  }
0x53: {  	_ =	shalt  }
0x54: {  	_ =	shalt  }
0x55: {  	_ =	shalt  }
0x56: {  	_ =	shalt  }
0x57: {  	_ =	shalt  }
0x58: {  	_ =	shalt  }
0x59: {  	_ =	shalt  }
0x5a: {  	_ =	shalt  }
0x5b: {  	_ =	shalt  }
0x5c: {  	_ =	shalt  }
0x5d: {  	_ =	shalt  }
0x5e: {  	_ =	shalt  }
0x5f: {  	_ =	shalt  }
0x60: {  	_ =	shalt  }
0x61: {  	_ =	shalt  }
0x62: {  	_ =	shalt  }
0x63: {  	_ =	shalt  }
0x64: {  	_ =	shalt  }
0x65: {  	_ =	shalt  }
0x66: {  	_ =	shalt  }
0x67: {  	_ =	shalt  }
0x68: {  	_ =	shalt  }
0x69: {  	_ =	shalt  }
0x6a: {  	_ =	shalt  }
0x6b: {  	_ =	shalt  }
0x6c: {  	_ =	shalt  }
0x6d: {  	_ =	shalt  }
0x6e: {  	_ =	shalt  }
0x6f: {  	_ =	shalt  }
0x70: {  	_ =	shalt  }
0x71: {  	_ =	shalt  }
0x72: {  	_ =	shalt  }
0x73: {  	_ =	shalt  }
0x74: {  	_ =	shalt  }
0x75: {  	_ =	shalt  }
0x76: {  	_ =	shalt  }
0x77: {  	_ =	shalt  }
0x78: {  	_ =	shalt  }
0x79: {  	_ =	shalt  }
0x7a: {  	_ =	shalt  }
0x7b: {  	_ =	shalt  }
0x7c: {  	_ =	shalt  }
0x7d: {  	_ =	shalt  }
0x7e: {  	_ =	shalt  }
0x7f: {  	_ =	shalt  }
0x80: {  	_ =	shalt  }
0x81: {  	_ =	shalt  }
0x82: {  	_ =	shalt  }
0x83: {  	_ =	shalt  }
0x84: {  	_ =	shalt  }
0x85: {  	_ =	shalt  }
0x86: {  	_ =	shalt  }
0x87: {  	_ =	shalt  }
.Lfunc_end0:
.L_simem_size_0:
called_computation_lowered:
.L_overlay_start_0:
0x88: {  	s2 =	sld [smem:$0x3FD9]  }
0x89: {  	s3 =	sld [smem:$0x3FFE];
	_ =	sdelay $0x1  }
0x8a: {  	s1 =	srdreg.scid  }
0x8b: {  	s0 =	sand.u32 $0x1, s1  }
0x8c: {  	s17 =	sshll.u32 s0, $0xA;
	s2 =	sadd.s32 s3, s2  }
0x8d: {  	s2 =	sadd.s32 s2, s17  }
0x8e: {  	[smem:$0x3FBF] =	sst s2  }
0x8f: {  	_ = 	snop  }
0x90: {  	s2 =	sld [smem:$0x3FD0];
	(tm) =	ssettm $0x1  }
0x91: {  	s18 =	sld [smem:$0x3FFB];
	_ =	sdelay $0x3  }
0x92: {  	_ =	strace s18  }
0x93: {  	s3 =	sld [smem:$0x3FFC];
	_ =	sdelay $0x3  }
0x94: {  	_ =	strace s3  }
0x95: {  	s3 =	sld [smem:$0x3FFD];
	_ =	sdelay $0x3  }
0x96: {  	_ =	strace s3  }
0x97: {  	_ =	strace $0x8FFFFFFF  }
0x98: {  	s19 =	sld [smem:$0x3FDB];
	_ =	sdelay $0x1  }
0x99: {  	s4 =	simm.s32 $_scs_section_size  }
0x9a: {  	s5 =	simm.s32 $_size__tile_overlayer_lowered;
	s6 =	simm.s32 $_tile_overlayer_lowered  }
0x9b: {  	s22 =	simm.s32 $0x1BFF;
	s21 =	sshll.u32 s6, $0x1;
	s3 =	sadd.s32 s4, s19  }
0x9c: {  	s7 =	simm.s32 $0x0;
	s20 =	sshll.u32 s5, $0x1;
	s5 =	sadd.s32 s21, s3  }
0x9d: {  	[timem:s7], [sflag:s22] =	dma.local [hbm:s5], s20  }
0x9e: {  	_ =	swait.ge [sflag:s22], s20  }
0x9f: {  	s4 =	ssub.s32 $0x0, s20;
	[sflag:s22] =	ssyncset.done $0x0  }
0xa0: {  	[sflag:s22] =	ssyncadd.s32 s4;
	_ =	sdelay $0x1  }
0xa1: {  	s23 =	simm.s32 $0x1B8B  }
0xa2: {  	_ =	swait.ge [sflag:s23], $0x1  }
0xa3: {  	[sflag:s23] =	ssyncset.done $0x0  }
0xa4: {  	s25 =	simm.s32 $0x1B8E;
	s24 =	sld [smem:$0x3FFE];
	[sflag:s23] =	ssyncadd.s32 $0xFFFFFFFF  }
0xa5: {  	s26 =	simm.s32 $execute0_lowered;
	[smem:$0x3FD2] =	sst s25  }
0xa6: {  	s5 =	sshll.u32 s26, $0x1;
	_ =	strace $0x80000046;
	[dreg:$0x1] =	wrdreg $0xFFFFFFFF  }
0xa7: {  	s28 =	simm.s32 $_size_execute0_lowered;
	s3 =	sadd.s32 s3, s5;
	[dreg:$0x0] =	wrdreg $0x0  }
0xa8: {  	s5 =	sshll.u32 s28, $0x1;
	[dreg:$0x2] =	wrdreg s3  }
0xa9: {  	[dreg:$0x3] =	wrdreg s5  }
0xaa: {  	[dreg:$0x4] =	wrdreg $0xC0  }
0xab: {  	_ =	task [dreg:s7], $0x5FFFF  }
0xac: {  	[dreg:$0x1] =	wrdreg $0xFFFFFFFF  }
0xad: {  	[dreg:$0x0] =	wrdreg $0x60  }
0xae: {  	[dreg:$0x2] =	wrdreg s2  }
0xaf: {  	[dreg:$0x3] =	wrdreg s24  }
0xb0: {  	[dreg:$0x4] =	wrdreg $0x9  }
0xb1: {  	_ =	task.clear_ibuf [dreg:s7], $0x5FFFF;
	_ =	strace $0x90000046  }
0xb2: {  	s29 =	simm.s32 $0x9;
	_ =	strace $0x80000048  }
0xb3: {  	_ =	swait.ge [sflag:s29], $0x1  }
0xb4: {  	[sflag:s29] =	ssyncadd.s32 $0xFFFFFFFF  }
0xb5: {  	_ =	strace $0x90000048  }
0xb6: {  	_ =	sfence  }
0xb7: {  	s30 =	sld [smem:$0x0];
	_ =	sdelay $0x2  }
0xb8: {  	s31 =	sshll.u32 s1, $0xD;
	s1 =	sshrl.u32 s1, $0x2  }
0xb9: {  	s3 =	sand.u32 $0x4000, s31;
	s1 =	sadd.s32 s1, s30  }
0xba: {  	s0 =	sor.u32 s3, s0;
	s1 =	sshll.u32 s1, $0x11  }
0xbb: {  	s0 =	sor.u32 s1, s0  }
0xbc: {  	s0 =	sadd.s32 $0x8F2B, s0  }
0xbd: {  	[sflag:s0] =	ssyncadd.remote.s32 $0x1  }
0xbe: {  	_ =	sfence.sel $0xFFFF  }
0xbf: {  	[dreg:$0x0] =	wrdreg $0xFFFFFFFF;
	(pc) =	sbr.abs _section_cstart, $3  }
0xc0: {  	[dreg:$0x1] =	wrdreg $0xFFFFFFFF  }
0xc1: {  	_ =	task.clear_ibuf [dreg:s7], $0x2FFFF;
	_ =	strace $0x9FFFFFFF  }
0xc2: {  	(tm) =	ssettm $0x7FFFFFFF  }
0xc3: {  	_ =	shalt  }
tec
execute0_lowered:
.L_overlay_start_1:
0x0: {  	(tag) =	ssettag $0x1  }
0x1: {  	s0 =	rddreg [dreg:$0x0]  }
0x2: {  	s1 =	rddreg [dreg:$0x1];
	s3 =	simm.s32 $0x0  }
0x3: {  	s2 =	srdreg.scid;
	s5 =	stileid.u32;
	s14 =	simm.s32 $0x1  }
0x4: {  	s16 =	simm.s32 $0x880;
	s17 =	simm.s32 $0x1080;
	s18 =	simm.s32 $0x1880  }
0x5: {  	s19 =	simm.s32 $0x2080;
	s20 =	simm.s32 $0x2880;
	s21 =	simm.s32 $0x3080  }
0x6: {  	s22 =	simm.s32 $0x3880;
	s28 =	simm.s32 $0x6080;
	s29 =	simm.s32 $0x6880  }
0x7: {  	s30 =	simm.s32 $0x7080;
	s31 =	simm.s32 $0x7880;
	s8 =	simm.s32 $0x9080  }
0x8: {  	s9 =	simm.s32 $0x9880;
	s10 =	simm.s32 $0xA080;
	s11 =	simm.s32 $0xA880  }
0x9: {  	s12 =	simm.s32 $0xB080;
	s13 =	simm.s32 $0xB880;
	s2 =	sand.u32 $0x1, s2  }
0xa: {  	[smem:$0x7FF] =	sst s3;
	s5 =	sshll.u32 s5, $0x9;
	s4 =	ssub.s32 $0x2, s2  }
0xb: {  	s23 =	sadd.s32 $0x120000, s1;
	s2 =	sshll.u32 s2, $0x8;
	s6 =	sshrl.u32 s4, $0x1  }
0xc: {  	_ =	strace $0x80000047;
	s2 =	sor.u32 s2, s5;
	s6 =	ssub.s32 s4, s6  }
0xd: {  	s24 =	sshrl.u32 s2, $0x3;
	s7 =	sshll.u32 s2, $0x6;
	s2 =	sor.u32 $0x80, s2  }
0xe: {  	s4 =	sadd.s32 s23, s24;
	s25 =	sadd.s32 s0, s7;
	s26 =	sshrl.u32 s2, $0x3  }
0xf: {  	s2 =	sshll.u32 s2, $0x6;
	s24 =	simm.s32 $0x4880;
	[dreg:$0x3] =	wrdreg s4  }
0x10: {  	s7 =	simm.s32 $0xC080;
	[dreg:$0x4] =	wrdreg s25;
	s5 =	sadd.s32 s23, s26  }
0x11: {  	v2 =	vlaneseq.u32;
	s4 =	sadd.s32 $0x100, s1;
	s0 =	sadd.s32 s0, s2;
	s23 =	simm.s32 $0x4080  }
0x12: {  	vm0 =	vmmov $0xffff;
	v1 =	vshrl.u32 v2, $0x3;
	s25 =	simm.s32 $0x5080;
	s26 =	simm.s32 $0x5880;
	[dreg:$0x5] =	wrdreg s5  }
0x13: {  	v0 =	vand.u32 $0x7, v2;
	v2 =	vor.u32 $0x8, v2;
	v1 =	vmul.u32 $0x8, v1;
	[dreg:$0x6] =	wrdreg s0;
	s5 =	smax.u32 s6, $0x1;
	s6 =	simm.s32 $0x2  }
.LBB2_1:
0x14: {  	s15 =	rddreg [dreg:$0x3]  }
0x15: {  	[tilespmem:s3], [sflag:$0x2] =	stream.linear.gather [hbm4b:s15+s3], $0x80, $0x38;
	[tilespmem:$0x10080] =	vst v63  }
0x16: {  	_ =	swait.ge [sflag:s6], $0x80  }
0x17: {  	[sflag:s6] =	ssyncset.done $0x0  }
0x18: {  	s0 =	simm.s32 $0x80;
	s2 =	rddreg [dreg:$0x4];
	[sflag:s6] =	ssyncadd.s32 $0xFFFFFF80  }
0x19: {  	[tilespmem:s0], [sflag:$0x2] =	stream.linear.gather [hbm4b:s2+s3], $0x10000, $0x38;
	[tilespmem:$0x10080] =	vst v63  }
0x1a: {  	_ =	swait.ge [sflag:s6], $0x10000  }
0x1b: {  	[sflag:s6] =	ssyncset.done $0x0  }
0x1c: {  	[sflag:s6] =	ssyncadd.s32 $0xFFFF0000  }
0x1d: {  	v3 =	vld [tilespmem:$0x0];
	_ =	sdelay $0x4  }
0x1e: {  	v4 =	vshll.u32 v3, $0x2  }
0x1f: {  	v3 =	vand.u32 $0x7, v3;
	v4 =	vand.u32 $0xFFFFFFE0, v4  }
0x20: {  	v3 =	vor.u32 v3, v4  }
0x21: {  	v4 =	vperm.xlane v3, v0;
	_ =	sdelay $0x1  }
0x22: {  	v4 =	vadd.s32 v1, v4;
	_ =	sdelay $0x1  }
0x23: {  	v3 =	vperm.xlane v3, v2;
	_ =	sdelay $0x1  }
0x24: {  	v3 =	vadd.s32 v1, v3  }
0x25: {  	[hbm4b:s1+s3] =	stream.indirect_vreg.scatter [tilespmem:s0], [sflag:$0x1], $0x80, v4, vm0, $0xb8;
	[tilespmem:$0x10080] =	vst v63  }
0x26: {  	_ = 	snop  }
0x27: {  	[hbm4b:s4+s3] =	stream.indirect_vreg.scatter [tilespmem:s16], [sflag:$0x1], $0x80, v4, vm0, $0xb8;
	[tilespmem:$0x10080] =	vst v63  }
0x28: {  	_ = 	snop  }
0x29: {  	[hbm4b:s1+s3] =	stream.indirect_vreg.scatter [tilespmem:s17], [sflag:$0x1], $0x80, v3, vm0, $0xb8;
	[tilespmem:$0x10080] =	vst v63  }
0x2a: {  	_ = 	snop  }
0x2b: {  	[hbm4b:s4+s3] =	stream.indirect_vreg.scatter [tilespmem:s18], [sflag:$0x1], $0x80, v3, vm0, $0xb8;
	[tilespmem:$0x10080] =	vst v63  }
0x2c: {  	v3 =	vld [tilespmem:$0x10];
	_ =	sdelay $0x4  }
0x2d: {  	v49 =	vshll.u32 v3, $0x2  }
0x2e: {  	v3 =	vand.u32 $0x7, v3;
	v4 =	vand.u32 $0xFFFFFFE0, v49  }
0x2f: {  	v3 =	vor.u32 v3, v4  }
0x30: {  	v4 =	vperm.xlane v3, v0;
	_ =	sdelay $0x1  }
0x31: {  	v4 =	vadd.s32 v1, v4;
	_ =	sdelay $0x1  }
0x32: {  	v3 =	vperm.xlane v3, v2;
	_ =	sdelay $0x1  }
0x33: {  	v3 =	vadd.s32 v1, v3  }
0x34: {  	[hbm4b:s1+s3] =	stream.indirect_vreg.scatter [tilespmem:s19], [sflag:$0x1], $0x80, v4, vm0, $0xb8;
	[tilespmem:$0x10080] =	vst v63  }
0x35: {  	_ = 	snop  }
0x36: {  	[hbm4b:s4+s3] =	stream.indirect_vreg.scatter [tilespmem:s20], [sflag:$0x1], $0x80, v4, vm0, $0xb8;
	[tilespmem:$0x10080] =	vst v63  }
0x37: {  	_ = 	snop  }
0x38: {  	[hbm4b:s1+s3] =	stream.indirect_vreg.scatter [tilespmem:s21], [sflag:$0x1], $0x80, v3, vm0, $0xb8;
	[tilespmem:$0x10080] =	vst v63  }
0x39: {  	_ = 	snop  }
0x3a: {  	[hbm4b:s4+s3] =	stream.indirect_vreg.scatter [tilespmem:s22], [sflag:$0x1], $0x80, v3, vm0, $0xb8;
	[tilespmem:$0x10080] =	vst v63  }
0x3b: {  	v3 =	vld [tilespmem:$0x20];
	_ =	sdelay $0x4  }
0x3c: {  	v50 =	vshll.u32 v3, $0x2  }
0x3d: {  	v3 =	vand.u32 $0x7, v3;
	v4 =	vand.u32 $0xFFFFFFE0, v50  }
0x3e: {  	v3 =	vor.u32 v3, v4  }
0x3f: {  	v4 =	vperm.xlane v3, v0;
	_ =	sdelay $0x1  }
0x40: {  	v4 =	vadd.s32 v1, v4;
	_ =	sdelay $0x1  }
0x41: {  	v3 =	vperm.xlane v3, v2;
	_ =	sdelay $0x1  }
0x42: {  	v3 =	vadd.s32 v1, v3  }
0x43: {  	[hbm4b:s1+s3] =	stream.indirect_vreg.scatter [tilespmem:s23], [sflag:$0x1], $0x80, v4, vm0, $0xb8;
	[tilespmem:$0x10080] =	vst v63  }
0x44: {  	_ = 	snop  }
0x45: {  	[hbm4b:s4+s3] =	stream.indirect_vreg.scatter [tilespmem:s24], [sflag:$0x1], $0x80, v4, vm0, $0xb8;
	[tilespmem:$0x10080] =	vst v63  }
0x46: {  	_ = 	snop  }
0x47: {  	[hbm4b:s1+s3] =	stream.indirect_vreg.scatter [tilespmem:s25], [sflag:$0x1], $0x80, v3, vm0, $0xb8;
	[tilespmem:$0x10080] =	vst v63  }
0x48: {  	_ = 	snop  }
0x49: {  	[hbm4b:s4+s3] =	stream.indirect_vreg.scatter [tilespmem:s26], [sflag:$0x1], $0x80, v3, vm0, $0xb8;
	[tilespmem:$0x10080] =	vst v63  }
0x4a: {  	v3 =	vld [tilespmem:$0x30];
	_ =	sdelay $0x4  }
0x4b: {  	v51 =	vshll.u32 v3, $0x2  }
0x4c: {  	v3 =	vand.u32 $0x7, v3;
	v4 =	vand.u32 $0xFFFFFFE0, v51  }
0x4d: {  	v3 =	vor.u32 v3, v4  }
0x4e: {  	v4 =	vperm.xlane v3, v0;
	_ =	sdelay $0x1  }
0x4f: {  	v4 =	vadd.s32 v1, v4;
	_ =	sdelay $0x1  }
0x50: {  	v3 =	vperm.xlane v3, v2;
	_ =	sdelay $0x1  }
0x51: {  	v3 =	vadd.s32 v1, v3  }
0x52: {  	[hbm4b:s1+s3] =	stream.indirect_vreg.scatter [tilespmem:s28], [sflag:$0x1], $0x80, v4, vm0, $0xb8;
	[tilespmem:$0x10080] =	vst v63  }
0x53: {  	_ = 	snop  }
0x54: {  	[hbm4b:s4+s3] =	stream.indirect_vreg.scatter [tilespmem:s29], [sflag:$0x1], $0x80, v4, vm0, $0xb8;
	[tilespmem:$0x10080] =	vst v63  }
0x55: {  	_ = 	snop  }
0x56: {  	[hbm4b:s1+s3] =	stream.indirect_vreg.scatter [tilespmem:s30], [sflag:$0x1], $0x80, v3, vm0, $0xb8;
	[tilespmem:$0x10080] =	vst v63  }
0x57: {  	_ = 	snop  }
0x58: {  	[hbm4b:s4+s3] =	stream.indirect_vreg.scatter [tilespmem:s31], [sflag:$0x1], $0x80, v3, vm0, $0xb8;
	[tilespmem:$0x10080] =	vst v63  }
0x59: {  	v3 =	vld [tilespmem:$0x40];
	_ =	sdelay $0x4  }
0x5a: {  	v52 =	vshll.u32 v3, $0x2  }
0x5b: {  	v3 =	vand.u32 $0x7, v3;
	v4 =	vand.u32 $0xFFFFFFE0, v52  }
0x5c: {  	v3 =	vor.u32 v3, v4  }
0x5d: {  	v4 =	vperm.xlane v3, v0;
	_ =	sdelay $0x1  }
0x5e: {  	v4 =	vadd.s32 v1, v4;
	_ =	sdelay $0x1  }
0x5f: {  	v3 =	vperm.xlane v3, v2;
	_ =	sdelay $0x1  }
0x60: {  	s2 =	simm.s32 $0x8080;
	v3 =	vadd.s32 v1, v3  }
0x61: {  	[hbm4b:s1+s3] =	stream.indirect_vreg.scatter [tilespmem:s2], [sflag:$0x1], $0x80, v4, vm0, $0xb8;
	[tilespmem:$0x10080] =	vst v63  }
0x62: {  	s2 =	simm.s32 $0x8880  }
0x63: {  	[hbm4b:s4+s3] =	stream.indirect_vreg.scatter [tilespmem:s2], [sflag:$0x1], $0x80, v4, vm0, $0xb8;
	[tilespmem:$0x10080] =	vst v63  }
0x64: {  	_ = 	snop  }
0x65: {  	[hbm4b:s1+s3] =	stream.indirect_vreg.scatter [tilespmem:s8], [sflag:$0x1], $0x80, v3, vm0, $0xb8;
	[tilespmem:$0x10080] =	vst v63  }
0x66: {  	_ = 	snop  }
0x67: {  	[hbm4b:s4+s3] =	stream.indirect_vreg.scatter [tilespmem:s9], [sflag:$0x1], $0x80, v3, vm0, $0xb8;
	[tilespmem:$0x10080] =	vst v63  }
0x68: {  	v3 =	vld [tilespmem:$0x50];
	_ =	sdelay $0x4  }
0x69: {  	v53 =	vshll.u32 v3, $0x2  }
0x6a: {  	v3 =	vand.u32 $0x7, v3;
	v4 =	vand.u32 $0xFFFFFFE0, v53  }
0x6b: {  	v3 =	vor.u32 v3, v4  }
0x6c: {  	v4 =	vperm.xlane v3, v0;
	_ =	sdelay $0x1  }
0x6d: {  	v4 =	vadd.s32 v1, v4;
	_ =	sdelay $0x1  }
0x6e: {  	v3 =	vperm.xlane v3, v2;
	_ =	sdelay $0x1  }
0x6f: {  	v3 =	vadd.s32 v1, v3  }
0x70: {  	[hbm4b:s1+s3] =	stream.indirect_vreg.scatter [tilespmem:s10], [sflag:$0x1], $0x80, v4, vm0, $0xb8;
	[tilespmem:$0x10080] =	vst v63  }
0x71: {  	_ = 	snop  }
0x72: {  	[hbm4b:s4+s3] =	stream.indirect_vreg.scatter [tilespmem:s11], [sflag:$0x1], $0x80, v4, vm0, $0xb8;
	[tilespmem:$0x10080] =	vst v63  }
0x73: {  	_ = 	snop  }
0x74: {  	[hbm4b:s1+s3] =	stream.indirect_vreg.scatter [tilespmem:s12], [sflag:$0x1], $0x80, v3, vm0, $0xb8;
	[tilespmem:$0x10080] =	vst v63  }
0x75: {  	_ = 	snop  }
0x76: {  	[hbm4b:s4+s3] =	stream.indirect_vreg.scatter [tilespmem:s13], [sflag:$0x1], $0x80, v3, vm0, $0xb8;
	[tilespmem:$0x10080] =	vst v63  }
0x77: {  	v3 =	vld [tilespmem:$0x60];
	_ =	sdelay $0x4  }
0x78: {  	v54 =	vshll.u32 v3, $0x2  }
0x79: {  	v3 =	vand.u32 $0x7, v3;
	v4 =	vand.u32 $0xFFFFFFE0, v54  }
0x7a: {  	v3 =	vor.u32 v3, v4  }
0x7b: {  	v4 =	vperm.xlane v3, v0;
	_ =	sdelay $0x1  }
0x7c: {  	v4 =	vadd.s32 v1, v4;
	_ =	sdelay $0x1  }
0x7d: {  	v3 =	vperm.xlane v3, v2;
	_ =	sdelay $0x1  }
0x7e: {  	v3 =	vadd.s32 v1, v3  }
0x7f: {  	[hbm4b:s1+s3] =	stream.indirect_vreg.scatter [tilespmem:s7], [sflag:$0x1], $0x80, v4, vm0, $0xb8;
	[tilespmem:$0x10080] =	vst v63  }
0x80: {  	s15 =	simm.s32 $0xC880  }
0x81: {  	[hbm4b:s4+s3] =	stream.indirect_vreg.scatter [tilespmem:s15], [sflag:$0x1], $0x80, v4, vm0, $0xb8;
	[tilespmem:$0x10080] =	vst v63  }
0x82: {  	s15 =	simm.s32 $0xD080  }
0x83: {  	[hbm4b:s1+s3] =	stream.indirect_vreg.scatter [tilespmem:s15], [sflag:$0x1], $0x80, v3, vm0, $0xb8;
	[tilespmem:$0x10080] =	vst v63  }
0x84: {  	s15 =	simm.s32 $0xD880  }
0x85: {  	[hbm4b:s4+s3] =	stream.indirect_vreg.scatter [tilespmem:s15], [sflag:$0x1], $0x80, v3, vm0, $0xb8;
	[tilespmem:$0x10080] =	vst v63  }
0x86: {  	v3 =	vld [tilespmem:$0x70];
	_ =	sdelay $0x4  }
0x87: {  	v55 =	vshll.u32 v3, $0x2  }
0x88: {  	v3 =	vand.u32 $0x7, v3;
	v4 =	vand.u32 $0xFFFFFFE0, v55  }
0x89: {  	v3 =	vor.u32 v3, v4  }
0x8a: {  	v4 =	vperm.xlane v3, v0;
	_ =	sdelay $0x1  }
0x8b: {  	v4 =	vadd.s32 v1, v4;
	_ =	sdelay $0x1  }
0x8c: {  	v3 =	vperm.xlane v3, v2;
	_ =	sdelay $0x1  }
0x8d: {  	s15 =	simm.s32 $0xE080;
	v3 =	vadd.s32 v1, v3  }
0x8e: {  	[hbm4b:s1+s3] =	stream.indirect_vreg.scatter [tilespmem:s15], [sflag:$0x1], $0x80, v4, vm0, $0xb8;
	[tilespmem:$0x10080] =	vst v63  }
0x8f: {  	s15 =	simm.s32 $0xE880  }
0x90: {  	[hbm4b:s4+s3] =	stream.indirect_vreg.scatter [tilespmem:s15], [sflag:$0x1], $0x80, v4, vm0, $0xb8;
	[tilespmem:$0x10080] =	vst v63  }
0x91: {  	s15 =	simm.s32 $0xF080  }
0x92: {  	[hbm4b:s1+s3] =	stream.indirect_vreg.scatter [tilespmem:s15], [sflag:$0x1], $0x80, v3, vm0, $0xb8;
	[tilespmem:$0x10080] =	vst v63  }
0x93: {  	s15 =	simm.s32 $0xF880  }
0x94: {  	[hbm4b:s4+s3] =	stream.indirect_vreg.scatter [tilespmem:s15], [sflag:$0x1], $0x80, v3, vm0, $0xb8;
	[tilespmem:$0x10080] =	vst v63  }
0x95: {  	_ =	swait.ge [sflag:s14], $0x10000  }
0x96: {  	[sflag:s14] =	ssyncset.done $0x0  }
0x97: {  	s15 =	rddreg [dreg:$0x5];
	[sflag:s14] =	ssyncadd.s32 $0xFFFF0000  }
0x98: {  	[tilespmem:s3], [sflag:$0x2] =	stream.linear.gather [hbm4b:s15+s3], $0x80, $0x38;
	[tilespmem:$0x10080] =	vst v63  }
0x99: {  	_ =	swait.ge [sflag:s6], $0x80  }
0x9a: {  	[sflag:s6] =	ssyncset.done $0x0  }
0x9b: {  	s15 =	rddreg [dreg:$0x6];
	[sflag:s6] =	ssyncadd.s32 $0xFFFFFF80  }
0x9c: {  	[tilespmem:s0], [sflag:$0x2] =	stream.linear.gather [hbm4b:s15+s3], $0x10000, $0x38;
	[tilespmem:$0x10080] =	vst v63  }
0x9d: {  	_ =	swait.ge [sflag:s6], $0x10000  }
0x9e: {  	[sflag:s6] =	ssyncset.done $0x0  }
0x9f: {  	[sflag:s6] =	ssyncadd.s32 $0xFFFF0000  }
0xa0: {  	v3 =	vld [tilespmem:$0x0];
	_ =	sdelay $0x4  }
0xa1: {  	v56 =	vshll.u32 v3, $0x2  }
0xa2: {  	v3 =	vand.u32 $0x7, v3;
	v4 =	vand.u32 $0xFFFFFFE0, v56  }
0xa3: {  	v3 =	vor.u32 v3, v4  }
0xa4: {  	v4 =	vperm.xlane v3, v0;
	_ =	sdelay $0x1  }
0xa5: {  	v4 =	vadd.s32 v1, v4;
	_ =	sdelay $0x1  }
0xa6: {  	v3 =	vperm.xlane v3, v2;
	_ =	sdelay $0x1  }
0xa7: {  	v3 =	vadd.s32 v1, v3  }
0xa8: {  	[hbm4b:s1+s3] =	stream.indirect_vreg.scatter [tilespmem:s0], [sflag:$0x1], $0x80, v4, vm0, $0xb8;
	[tilespmem:$0x10080] =	vst v63  }
0xa9: {  	_ = 	snop  }
0xaa: {  	[hbm4b:s4+s3] =	stream.indirect_vreg.scatter [tilespmem:s16], [sflag:$0x1], $0x80, v4, vm0, $0xb8;
	[tilespmem:$0x10080] =	vst v63  }
0xab: {  	_ = 	snop  }
0xac: {  	[hbm4b:s1+s3] =	stream.indirect_vreg.scatter [tilespmem:s17], [sflag:$0x1], $0x80, v3, vm0, $0xb8;
	[tilespmem:$0x10080] =	vst v63  }
0xad: {  	_ = 	snop  }
0xae: {  	[hbm4b:s4+s3] =	stream.indirect_vreg.scatter [tilespmem:s18], [sflag:$0x1], $0x80, v3, vm0, $0xb8;
	[tilespmem:$0x10080] =	vst v63  }
0xaf: {  	v3 =	vld [tilespmem:$0x10];
	_ =	sdelay $0x4  }
0xb0: {  	v57 =	vshll.u32 v3, $0x2  }
0xb1: {  	v3 =	vand.u32 $0x7, v3;
	v4 =	vand.u32 $0xFFFFFFE0, v57  }
0xb2: {  	v3 =	vor.u32 v3, v4  }
0xb3: {  	v4 =	vperm.xlane v3, v0;
	_ =	sdelay $0x1  }
0xb4: {  	v4 =	vadd.s32 v1, v4;
	_ =	sdelay $0x1  }
0xb5: {  	v3 =	vperm.xlane v3, v2;
	_ =	sdelay $0x1  }
0xb6: {  	v3 =	vadd.s32 v1, v3  }
0xb7: {  	[hbm4b:s1+s3] =	stream.indirect_vreg.scatter [tilespmem:s19], [sflag:$0x1], $0x80, v4, vm0, $0xb8;
	[tilespmem:$0x10080] =	vst v63  }
0xb8: {  	_ = 	snop  }
0xb9: {  	[hbm4b:s4+s3] =	stream.indirect_vreg.scatter [tilespmem:s20], [sflag:$0x1], $0x80, v4, vm0, $0xb8;
	[tilespmem:$0x10080] =	vst v63  }
0xba: {  	_ = 	snop  }
0xbb: {  	[hbm4b:s1+s3] =	stream.indirect_vreg.scatter [tilespmem:s21], [sflag:$0x1], $0x80, v3, vm0, $0xb8;
	[tilespmem:$0x10080] =	vst v63  }
0xbc: {  	_ = 	snop  }
0xbd: {  	[hbm4b:s4+s3] =	stream.indirect_vreg.scatter [tilespmem:s22], [sflag:$0x1], $0x80, v3, vm0, $0xb8;
	[tilespmem:$0x10080] =	vst v63  }
0xbe: {  	v3 =	vld [tilespmem:$0x20];
	_ =	sdelay $0x4  }
0xbf: {  	v58 =	vshll.u32 v3, $0x2  }
0xc0: {  	v3 =	vand.u32 $0x7, v3;
	v4 =	vand.u32 $0xFFFFFFE0, v58  }
0xc1: {  	v3 =	vor.u32 v3, v4  }
0xc2: {  	v4 =	vperm.xlane v3, v0;
	_ =	sdelay $0x1  }
0xc3: {  	v4 =	vadd.s32 v1, v4;
	_ =	sdelay $0x1  }
0xc4: {  	v3 =	vperm.xlane v3, v2;
	_ =	sdelay $0x1  }
0xc5: {  	v3 =	vadd.s32 v1, v3  }
0xc6: {  	[hbm4b:s1+s3] =	stream.indirect_vreg.scatter [tilespmem:s23], [sflag:$0x1], $0x80, v4, vm0, $0xb8;
	[tilespmem:$0x10080] =	vst v63  }
0xc7: {  	_ = 	snop  }
0xc8: {  	[hbm4b:s4+s3] =	stream.indirect_vreg.scatter [tilespmem:s24], [sflag:$0x1], $0x80, v4, vm0, $0xb8;
	[tilespmem:$0x10080] =	vst v63  }
0xc9: {  	_ = 	snop  }
0xca: {  	[hbm4b:s1+s3] =	stream.indirect_vreg.scatter [tilespmem:s25], [sflag:$0x1], $0x80, v3, vm0, $0xb8;
	[tilespmem:$0x10080] =	vst v63  }
0xcb: {  	_ = 	snop  }
0xcc: {  	[hbm4b:s4+s3] =	stream.indirect_vreg.scatter [tilespmem:s26], [sflag:$0x1], $0x80, v3, vm0, $0xb8;
	[tilespmem:$0x10080] =	vst v63  }
0xcd: {  	v3 =	vld [tilespmem:$0x30];
	_ =	sdelay $0x4  }
0xce: {  	v59 =	vshll.u32 v3, $0x2  }
0xcf: {  	v3 =	vand.u32 $0x7, v3;
	v4 =	vand.u32 $0xFFFFFFE0, v59  }
0xd0: {  	v3 =	vor.u32 v3, v4  }
0xd1: {  	v4 =	vperm.xlane v3, v0;
	_ =	sdelay $0x1  }
0xd2: {  	v4 =	vadd.s32 v1, v4;
	_ =	sdelay $0x1  }
0xd3: {  	v3 =	vperm.xlane v3, v2;
	_ =	sdelay $0x1  }
0xd4: {  	v3 =	vadd.s32 v1, v3  }
0xd5: {  	[hbm4b:s1+s3] =	stream.indirect_vreg.scatter [tilespmem:s28], [sflag:$0x1], $0x80, v4, vm0, $0xb8;
	[tilespmem:$0x10080] =	vst v63  }
0xd6: {  	_ = 	snop  }
0xd7: {  	[hbm4b:s4+s3] =	stream.indirect_vreg.scatter [tilespmem:s29], [sflag:$0x1], $0x80, v4, vm0, $0xb8;
	[tilespmem:$0x10080] =	vst v63  }
0xd8: {  	_ = 	snop  }
0xd9: {  	[hbm4b:s1+s3] =	stream.indirect_vreg.scatter [tilespmem:s30], [sflag:$0x1], $0x80, v3, vm0, $0xb8;
	[tilespmem:$0x10080] =	vst v63  }
0xda: {  	_ = 	snop  }
0xdb: {  	[hbm4b:s4+s3] =	stream.indirect_vreg.scatter [tilespmem:s31], [sflag:$0x1], $0x80, v3, vm0, $0xb8;
	[tilespmem:$0x10080] =	vst v63  }
0xdc: {  	v3 =	vld [tilespmem:$0x40];
	_ =	sdelay $0x4  }
0xdd: {  	v60 =	vshll.u32 v3, $0x2  }
0xde: {  	v3 =	vand.u32 $0x7, v3;
	v4 =	vand.u32 $0xFFFFFFE0, v60  }
0xdf: {  	v3 =	vor.u32 v3, v4  }
0xe0: {  	v4 =	vperm.xlane v3, v0;
	_ =	sdelay $0x1  }
0xe1: {  	v4 =	vadd.s32 v1, v4;
	_ =	sdelay $0x1  }
0xe2: {  	v3 =	vperm.xlane v3, v2;
	_ =	sdelay $0x1  }
0xe3: {  	s15 =	simm.s32 $0x8080;
	v3 =	vadd.s32 v1, v3  }
0xe4: {  	[hbm4b:s1+s3] =	stream.indirect_vreg.scatter [tilespmem:s15], [sflag:$0x1], $0x80, v4, vm0, $0xb8;
	[tilespmem:$0x10080] =	vst v63  }
0xe5: {  	_ = 	snop  }
0xe6: {  	[hbm4b:s4+s3] =	stream.indirect_vreg.scatter [tilespmem:s2], [sflag:$0x1], $0x80, v4, vm0, $0xb8;
	[tilespmem:$0x10080] =	vst v63  }
0xe7: {  	_ = 	snop  }
0xe8: {  	[hbm4b:s1+s3] =	stream.indirect_vreg.scatter [tilespmem:s8], [sflag:$0x1], $0x80, v3, vm0, $0xb8;
	[tilespmem:$0x10080] =	vst v63  }
0xe9: {  	_ = 	snop  }
0xea: {  	[hbm4b:s4+s3] =	stream.indirect_vreg.scatter [tilespmem:s9], [sflag:$0x1], $0x80, v3, vm0, $0xb8;
	[tilespmem:$0x10080] =	vst v63  }
0xeb: {  	v3 =	vld [tilespmem:$0x50];
	_ =	sdelay $0x4  }
0xec: {  	v61 =	vshll.u32 v3, $0x2  }
0xed: {  	v3 =	vand.u32 $0x7, v3;
	v4 =	vand.u32 $0xFFFFFFE0, v61  }
0xee: {  	v3 =	vor.u32 v3, v4  }
0xef: {  	v4 =	vperm.xlane v3, v0;
	_ =	sdelay $0x1  }
0xf0: {  	v4 =	vadd.s32 v1, v4;
	_ =	sdelay $0x1  }
0xf1: {  	v3 =	vperm.xlane v3, v2;
	_ =	sdelay $0x1  }
0xf2: {  	v3 =	vadd.s32 v1, v3  }
0xf3: {  	[hbm4b:s1+s3] =	stream.indirect_vreg.scatter [tilespmem:s10], [sflag:$0x1], $0x80, v4, vm0, $0xb8;
	[tilespmem:$0x10080] =	vst v63  }
0xf4: {  	_ = 	snop  }
0xf5: {  	[hbm4b:s4+s3] =	stream.indirect_vreg.scatter [tilespmem:s11], [sflag:$0x1], $0x80, v4, vm0, $0xb8;
	[tilespmem:$0x10080] =	vst v63  }
0xf6: {  	_ = 	snop  }
0xf7: {  	[hbm4b:s1+s3] =	stream.indirect_vreg.scatter [tilespmem:s12], [sflag:$0x1], $0x80, v3, vm0, $0xb8;
	[tilespmem:$0x10080] =	vst v63  }
0xf8: {  	_ = 	snop  }
0xf9: {  	[hbm4b:s4+s3] =	stream.indirect_vreg.scatter [tilespmem:s13], [sflag:$0x1], $0x80, v3, vm0, $0xb8;
	[tilespmem:$0x10080] =	vst v63  }
0xfa: {  	v3 =	vld [tilespmem:$0x60];
	_ =	sdelay $0x4  }
0xfb: {  	v62 =	vshll.u32 v3, $0x2  }
0xfc: {  	v3 =	vand.u32 $0x7, v3;
	v4 =	vand.u32 $0xFFFFFFE0, v62  }
0xfd: {  	v3 =	vor.u32 v3, v4  }
0xfe: {  	v4 =	vperm.xlane v3, v0;
	_ =	sdelay $0x1  }
0xff: {  	v4 =	vadd.s32 v1, v4;
	_ =	sdelay $0x1  }
0x100: {  	v3 =	vperm.xlane v3, v2;
	_ =	sdelay $0x1  }
0x101: {  	v3 =	vadd.s32 v1, v3  }
0x102: {  	[hbm4b:s1+s3] =	stream.indirect_vreg.scatter [tilespmem:s7], [sflag:$0x1], $0x80, v4, vm0, $0xb8;
	[tilespmem:$0x10080] =	vst v63  }
0x103: {  	s15 =	simm.s32 $0xC880  }
0x104: {  	[hbm4b:s4+s3] =	stream.indirect_vreg.scatter [tilespmem:s15], [sflag:$0x1], $0x80, v4, vm0, $0xb8;
	[tilespmem:$0x10080] =	vst v63  }
0x105: {  	s2 =	simm.s32 $0xD080  }
0x106: {  	[hbm4b:s1+s3] =	stream.indirect_vreg.scatter [tilespmem:s2], [sflag:$0x1], $0x80, v3, vm0, $0xb8;
	[tilespmem:$0x10080] =	vst v63  }
0x107: {  	s15 =	simm.s32 $0xD880  }
0x108: {  	[hbm4b:s4+s3] =	stream.indirect_vreg.scatter [tilespmem:s15], [sflag:$0x1], $0x80, v3, vm0, $0xb8;
	[tilespmem:$0x10080] =	vst v63  }
0x109: {  	v3 =	vld [tilespmem:$0x70];
	_ =	sdelay $0x4  }
0x10a: {  	v63 =	vshll.u32 v3, $0x2  }
0x10b: {  	v3 =	vand.u32 $0x7, v3;
	v4 =	vand.u32 $0xFFFFFFE0, v63  }
0x10c: {  	v3 =	vor.u32 v3, v4  }
0x10d: {  	v4 =	vperm.xlane v3, v0;
	_ =	sdelay $0x1  }
0x10e: {  	v4 =	vadd.s32 v1, v4;
	_ =	sdelay $0x1  }
0x10f: {  	v3 =	vperm.xlane v3, v2;
	_ =	sdelay $0x1  }
0x110: {  	s2 =	simm.s32 $0xE080;
	v3 =	vadd.s32 v1, v3  }
0x111: {  	[hbm4b:s1+s3] =	stream.indirect_vreg.scatter [tilespmem:s2], [sflag:$0x1], $0x80, v4, vm0, $0xb8;
	[tilespmem:$0x10080] =	vst v63  }
0x112: {  	s15 =	simm.s32 $0xE880  }
0x113: {  	[hbm4b:s4+s3] =	stream.indirect_vreg.scatter [tilespmem:s15], [sflag:$0x1], $0x80, v4, vm0, $0xb8;
	[tilespmem:$0x10080] =	vst v63  }
0x114: {  	p0 =	sne.s32 s5, $0x1;
	s2 =	simm.s32 $0xF080  }
0x115: {  	[hbm4b:s1+s3] =	stream.indirect_vreg.scatter [tilespmem:s2], [sflag:$0x1], $0x80, v3, vm0, $0xb8;
	[tilespmem:$0x10080] =	vst v63  }
.Ltmp0:
0x116: {  	s15 =	simm.s32 $0xF880;
	(pc) =	sbr.rel @p0 .LBB2_1-.Ltmp0, $4  }
0x117: {  	[hbm4b:s4+s3] =	stream.indirect_vreg.scatter [tilespmem:s15], [sflag:$0x1], $0x80, v3, vm0, $0xb8;
	[tilespmem:$0x10080] =	vst v63  }
0x118: {  	_ =	swait.ge [sflag:s14], $0x10000  }
0x119: {  	[sflag:s14] =	ssyncset.done $0x0  }
0x11a: {  	s5 =	sadd.s32 $0xFFFFFFFF, s5;
	[sflag:s14] =	ssyncadd.s32 $0xFFFF0000  }
0x11b: {  	_ =	sfence.sel $0x180000  }
0x11c: {  	[bflag:$0x0] =	sbarrier.arrive $0xFFFF  }
0x11d: {  	_ =	strace $0x90000047  }
0x11e: {  	s0 =	stileid.u32;
	[bflag:$0x2] =	sbarrier.arrive $0xFFFF  }
0x11f: {  	p0 =	sne.s32 s0, $0x0;
	s0 =	rddreg [dreg:$0x2]  }
0x120: {  	s0 =	sadd.s32 @!p0 $0x100000, s0  }
0x121: {  	[sflag:s0] =	ssyncadd.tile.s32 @!p0 $0x1;
	_ =	shalt  }
.Lfunc_end2:
_tile_overlayer_lowered:
.L_overlay_start_2:
0x122: {  	(tag) =	ssettag $0x2  }
0x123: {  	s0 =	rddreg [dreg:$0x0];
	s2 =	stileid.u32  }
0x124: {  	s1 =	rddreg [dreg:$0x1];
	p0 =	sne.s32 s2, $0x0  }
0x125: {  	s3 =	rddreg [dreg:$0x2];
	[bflag:$0x3] =	sbarrier.arrive $0xFFFF;
	s2 =	simm.s32 @!p0 $0x1C02  }
0x126: {  	[timem:s3], [sflag:s2] =	dma.local @!p0 [hbm:s0], s1  }
0x127: {  	s0 =	simm.s32 @!p0 $0x2  }
0x128: {  	_ =	swait.ge @!p0 [sflag:s0], s1  }
0x129: {  	s1 =	ssub.s32 @!p0 $0x0, s1;
	[sflag:s0] =	ssyncset.done @!p0 $0x0  }
0x12a: {  	[sflag:s0] =	ssyncadd.s32 @!p0 s1  }
0x12b: {  	[bflag:$0x3] =	sbarrier.arrive $0xFFFF  }
0x12c: {  	_ =	shalt  }

</sc_bundles>
